<compile_context>
chip_gen: v7x
topology: tpu7x:2x2x1
jax: 0.10.2.dev20260603
libtpu: 0.0.44.dev20260713+nightly
codegen_flags: <defaults>
</compile_context>

<pallas_src>
import functools

import jax
import jax.numpy as jnp
from jax import lax
from jax.experimental import pallas as pl
from jax.experimental.pallas import tpu as pltpu
from jax.experimental.pallas import tpu_sc as plsc

_T = 1000
_TPAD = 1024
_B = 16384
_NW = 32
_BPW = _B // _NW


def _sqrt16(x):
    bits = lax.bitcast_convert_type(x, jnp.int32)
    y = lax.bitcast_convert_type((bits >> 1) + jnp.int32(0x1FBD1DF5),
                                 jnp.float32)
    for _ in range(3):
        y = 0.5 * (y + x / y)
    return y


@functools.partial(
    pl.kernel,
    mesh=plsc.VectorSubcoreMesh(core_axis_name="c", subcore_axis_name="s"),
    out_type=jax.ShapeDtypeStruct((2 * _B,), jnp.float32),
    scratch_types=[
        pltpu.VMEM((_BPW,), jnp.int32),
        pltpu.VMEM((_TPAD,), jnp.float32),
        pltpu.VMEM((_TPAD,), jnp.float32),
        pltpu.VMEM((_TPAD,), jnp.float32),
        pltpu.VMEM((2 * _BPW,), jnp.float32),
    ],
    compiler_params=pltpu.CompilerParams(needs_layout_passes=False),
)
def _sc_encode(t_hbm, tab_hbm, out_hbm, idx_v, tab_v, sa_v, sb_v, out_v):
    wid = lax.axis_index("s") * 2 + lax.axis_index("c")
    base = wid * _BPW
    pltpu.sync_copy(tab_hbm, tab_v)
    pltpu.sync_copy(t_hbm.at[pl.ds(base, _BPW)], idx_v)

    def tbody(i, c):
        x = tab_v[pl.ds(i * 16, 16)]
        sa_v[pl.ds(i * 16, 16)] = _sqrt16(x)
        sb_v[pl.ds(i * 16, 16)] = _sqrt16(1.0 - x)
        return c

    lax.fori_loop(0, _TPAD // 16, tbody, 0)

    lane = lax.iota(jnp.int32, 16)

    def gbody(j, c):
        tv = idx_v[pl.ds(j * 16, 16)]
        a = plsc.load_gather(sa_v, [tv])
        b = plsc.load_gather(sb_v, [tv])
        k = j * 32 + 2 * lane
        plsc.store_scatter(out_v, [k], a)
        plsc.store_scatter(out_v, [k + 1], b)
        return c

    lax.fori_loop(0, _BPW // 16, gbody, 0)

    pltpu.sync_copy(out_v, out_hbm.at[pl.ds(2 * base, 2 * _BPW)])


def kernel(t, alphas_cumprod):
    tab = jnp.pad(alphas_cumprod, (0, _TPAD - _T), constant_values=0.5)
    flat = _sc_encode(t.astype(jnp.int32), tab)
    return flat.reshape(_B, 2)

# --- scband reference (transcript-rebuilt; emitter-appended) ---
"""Pipeline reference for scband-fixed-timestep-encoding-31439160607122 (READ-ONLY COPY).

The authoritative reference and input builder live on the scoring server;
editing this copy changes nothing except your own understanding.
"""

import jax, jax.numpy as jnp
import numpy as np

T = 1000
B = 16384

def _make_alphas_cumprod():
    betas = jnp.linspace(1e-4, 0.02, T, dtype=jnp.float32)
    alphas = 1.0 - betas
    return jnp.cumprod(alphas)

def setup_inputs(seed: int = 0) -> dict:
    key = jax.random.key(seed)
    t = jax.random.randint(key, (B,), 0, T, dtype=jnp.int64 if jax.config.jax_enable_x64 else jnp.int32)
    alphas_cumprod = _make_alphas_cumprod()
    return {"t": t, "alphas_cumprod": alphas_cumprod}

def reference(t, alphas_cumprod):
    # alpha_bar = self.alphas_cumprod[t]  (gather)
    alpha_bar = jnp.take(alphas_cumprod, t, axis=0)
    # torch.stack([alpha_bar.sqrt(), (1 - alpha_bar).sqrt()], dim=-1)
    out = jnp.stack([jnp.sqrt(alpha_bar), jnp.sqrt(1.0 - alpha_bar)], axis=-1)
    return out

if __name__ == "__main__":
    import jax
    _d = setup_inputs()
    print(jax.jit(kernel)(*tuple(_d.values())))

</pallas_src>

<mosaic_0001>
#map = affine_map<(d0, d1) -> (0)>
module attributes {stable_mosaic.version = 14 : i64} {
  func.func @_sc_encode(%arg0: i32, %arg1: i32, %arg2: memref<16384xi32, #tpu.memory_space<hbm>>, %arg3: memref<1024xf32, #tpu.memory_space<hbm>>, %arg4: memref<32768xf32, #tpu.memory_space<hbm>>, %arg5: memref<512xi32, #tpu.memory_space<vmem>>, %arg6: memref<1024xf32, #tpu.memory_space<vmem>>, %arg7: memref<1024xf32, #tpu.memory_space<vmem>>, %arg8: memref<1024xf32, #tpu.memory_space<vmem>>, %arg9: memref<1024xf32, #tpu.memory_space<vmem>>) attributes {dimension_semantics = [#tpu.dimension_semantics<core_parallel>, #tpu.dimension_semantics<subcore_parallel>], iteration_bounds = array<i64: 2, 16>, scalar_prefetch = 0 : i64, scratch_operands = 5 : i64, tpu.core_type = #tpu.core_type<sc_vector_subcore>, window_params = [{transform_indices = #map}, {transform_indices = #map}, {transform_indices = #map}]} {
    %mul3A = arith.constant 2 : i32
    %mul3A_0 = arith.muli %arg1, %mul3A : i32
    %add3A = arith.addi %mul3A_0, %arg0 : i32
    %mul3A_1 = arith.constant 512 : i32
    %mul3A_2 = arith.muli %add3A, %mul3A_1 : i32
    "tpu.region"() ({
      %run_scoped3A = tpu.sem_alloc : memref<!tpu.dma_semaphore, #tpu.memory_space<semaphore_mem>>
      tpu.enqueue_dma source(%arg3 : memref<1024xf32, #tpu.memory_space<hbm>>) target(%arg6 : memref<1024xf32, #tpu.memory_space<vmem>>) target_semaphore(%run_scoped3A : memref<!tpu.dma_semaphore, #tpu.memory_space<semaphore_mem>>)
      tpu.wait_dma2 semaphore(%run_scoped3A : memref<!tpu.dma_semaphore, #tpu.memory_space<semaphore_mem>>) src(%arg3 : memref<1024xf32, #tpu.memory_space<hbm>>) dst(%arg6 : memref<1024xf32, #tpu.memory_space<vmem>>)
      tpu.yield
    }) : () -> ()
    "tpu.region"() ({
      %run_scoped3A = tpu.sem_alloc : memref<!tpu.dma_semaphore, #tpu.memory_space<semaphore_mem>>
      %dma_start3A = tpu.memref_slice %arg2[%mul3A_2] : memref<16384xi32, #tpu.memory_space<hbm>> -> memref<512xi32, #tpu.memory_space<hbm>>
      %dma_start3A_16 = tpu.memref_slice %arg2[%mul3A_2] : memref<16384xi32, #tpu.memory_space<hbm>> -> memref<512xi32, #tpu.memory_space<hbm>>
      tpu.enqueue_dma source(%dma_start3A_16 : memref<512xi32, #tpu.memory_space<hbm>>) target(%arg5 : memref<512xi32, #tpu.memory_space<vmem>>) target_semaphore(%run_scoped3A : memref<!tpu.dma_semaphore, #tpu.memory_space<semaphore_mem>>)
      %dma_wait3A = tpu.memref_slice %arg2[%mul3A_2] : memref<16384xi32, #tpu.memory_space<hbm>> -> memref<512xi32, #tpu.memory_space<hbm>>
      %dma_wait3A_17 = tpu.memref_slice %arg2[%mul3A_2] : memref<16384xi32, #tpu.memory_space<hbm>> -> memref<512xi32, #tpu.memory_space<hbm>>
      tpu.wait_dma2 semaphore(%run_scoped3A : memref<!tpu.dma_semaphore, #tpu.memory_space<semaphore_mem>>) src(%dma_wait3A_17 : memref<512xi32, #tpu.memory_space<hbm>>) dst(%arg5 : memref<512xi32, #tpu.memory_space<vmem>>)
      tpu.yield
    }) : () -> ()
    %scan3A = arith.constant 0 : i32
    %scan3A_3 = arith.constant 0 : i32
    %scan3A_4 = arith.constant 64 : i32
    %scan3A_5 = arith.addi %scan3A_3, %scan3A_4 : i32
    %scan3A_6 = arith.constant 1 : i32
    scf.for %scan3A_16 = %scan3A_3 to %scan3A_5 step %scan3A_6  : i32 {
      %mul3A_17 = arith.constant 16 : i32
      %mul3A_18 = arith.muli %scan3A_16, %mul3A_17 : i32
      %get3A = arith.index_cast %mul3A_18 : i32 to index
      %get3A_19 = tpu.vector_load %arg6[%get3A] {strides = array<i32>} : memref<1024xf32, #tpu.memory_space<vmem>>, vector<16xf32>,
      %bitcast_convert_type3A = tpu.bitcast %get3A_19 : vector<16xf32> -> vector<16xi32>
      %shift_right_arithmetic3A = arith.constant 1 : i32
      %shift_right_arithmetic3A_20 = vector.broadcast %shift_right_arithmetic3A : i32 to vector<16xi32>
      %shift_right_arithmetic3A_21 = arith.shrsi %bitcast_convert_type3A, %shift_right_arithmetic3A_20 : vector<16xi32>
      %add3A_22 = arith.constant 532487669 : i32
      %add3A_23 = vector.broadcast %add3A_22 : i32 to vector<16xi32>
      %add3A_24 = arith.addi %shift_right_arithmetic3A_21, %add3A_23 : vector<16xi32>
      %bitcast_convert_type3A_25 = tpu.bitcast %add3A_24 : vector<16xi32> -> vector<16xf32>
      %div3A = arith.divf %get3A_19, %bitcast_convert_type3A_25 : vector<16xf32>
      %add3A_26 = arith.addf %bitcast_convert_type3A_25, %div3A : vector<16xf32>
      %mul3A_27 = arith.constant 5.000000e-01 : f32
      %mul3A_28 = vector.broadcast %mul3A_27 : f32 to vector<16xf32>
      %mul3A_29 = arith.mulf %mul3A_28, %add3A_26 : vector<16xf32>
      %div3A_30 = arith.divf %get3A_19, %mul3A_29 : vector<16xf32>
      %add3A_31 = arith.addf %mul3A_29, %div3A_30 : vector<16xf32>
      %mul3A_32 = arith.constant 5.000000e-01 : f32
      %mul3A_33 = vector.broadcast %mul3A_32 : f32 to vector<16xf32>
      %mul3A_34 = arith.mulf %mul3A_33, %add3A_31 : vector<16xf32>
      %div3A_35 = arith.divf %get3A_19, %mul3A_34 : vector<16xf32>
      %add3A_36 = arith.addf %mul3A_34, %div3A_35 : vector<16xf32>
      %mul3A_37 = arith.constant 5.000000e-01 : f32
      %mul3A_38 = vector.broadcast %mul3A_37 : f32 to vector<16xf32>
      %mul3A_39 = arith.mulf %mul3A_38, %add3A_36 : vector<16xf32>
      %mul3A_40 = arith.constant 16 : i32
      %mul3A_41 = arith.muli %scan3A_16, %mul3A_40 : i32
      %swap3A = arith.index_cast %mul3A_41 : i32 to index
      %swap3A_42 = tpu.vector_load %arg7[%swap3A] {strides = array<i32>} : memref<1024xf32, #tpu.memory_space<vmem>>, vector<16xf32>,
      tpu.vector_store %arg7[%swap3A], %mul3A_39 {strides = array<i32>} : memref<1024xf32, #tpu.memory_space<vmem>>, vector<16xf32>,
      %sub3A = arith.constant 1.000000e+00 : f32
      %sub3A_43 = vector.broadcast %sub3A : f32 to vector<16xf32>
      %sub3A_44 = arith.subf %sub3A_43, %get3A_19 : vector<16xf32>
      %bitcast_convert_type3A_45 = tpu.bitcast %sub3A_44 : vector<16xf32> -> vector<16xi32>
      %shift_right_arithmetic3A_46 = arith.constant 1 : i32
      %shift_right_arithmetic3A_47 = vector.broadcast %shift_right_arithmetic3A_46 : i32 to vector<16xi32>
      %shift_right_arithmetic3A_48 = arith.shrsi %bitcast_convert_type3A_45, %shift_right_arithmetic3A_47 : vector<16xi32>
      %add3A_49 = arith.constant 532487669 : i32
      %add3A_50 = vector.broadcast %add3A_49 : i32 to vector<16xi32>
      %add3A_51 = arith.addi %shift_right_arithmetic3A_48, %add3A_50 : vector<16xi32>
      %bitcast_convert_type3A_52 = tpu.bitcast %add3A_51 : vector<16xi32> -> vector<16xf32>
      %div3A_53 = arith.divf %sub3A_44, %bitcast_convert_type3A_52 : vector<16xf32>
      %add3A_54 = arith.addf %bitcast_convert_type3A_52, %div3A_53 : vector<16xf32>
      %mul3A_55 = arith.constant 5.000000e-01 : f32
      %mul3A_56 = vector.broadcast %mul3A_55 : f32 to vector<16xf32>
      %mul3A_57 = arith.mulf %mul3A_56, %add3A_54 : vector<16xf32>
      %div3A_58 = arith.divf %sub3A_44, %mul3A_57 : vector<16xf32>
      %add3A_59 = arith.addf %mul3A_57, %div3A_58 : vector<16xf32>
      %mul3A_60 = arith.constant 5.000000e-01 : f32
      %mul3A_61 = vector.broadcast %mul3A_60 : f32 to vector<16xf32>
      %mul3A_62 = arith.mulf %mul3A_61, %add3A_59 : vector<16xf32>
      %div3A_63 = arith.divf %sub3A_44, %mul3A_62 : vector<16xf32>
      %add3A_64 = arith.addf %mul3A_62, %div3A_63 : vector<16xf32>
      %mul3A_65 = arith.constant 5.000000e-01 : f32
      %mul3A_66 = vector.broadcast %mul3A_65 : f32 to vector<16xf32>
      %mul3A_67 = arith.mulf %mul3A_66, %add3A_64 : vector<16xf32>
      %mul3A_68 = arith.constant 16 : i32
      %mul3A_69 = arith.muli %scan3A_16, %mul3A_68 : i32
      %swap3A_70 = arith.index_cast %mul3A_69 : i32 to index
      %swap3A_71 = tpu.vector_load %arg8[%swap3A_70] {strides = array<i32>} : memref<1024xf32, #tpu.memory_space<vmem>>, vector<16xf32>,
      tpu.vector_store %arg8[%swap3A_70], %mul3A_67 {strides = array<i32>} : memref<1024xf32, #tpu.memory_space<vmem>>, vector<16xf32>,
    }
    %scan3A_7 = arith.constant 64 : i32
    %iota3A = tpu.iota {dimensions = array<i32: 0>} : vector<16xi32>
    %scan3A_8 = arith.constant 0 : i32
    %scan3A_9 = arith.constant 0 : i32
    %scan3A_10 = arith.constant 32 : i32
    %scan3A_11 = arith.addi %scan3A_9, %scan3A_10 : i32
    %scan3A_12 = arith.constant 1 : i32
    scf.for %scan3A_16 = %scan3A_9 to %scan3A_11 step %scan3A_12  : i32 {
      %mul3A_17 = arith.constant 16 : i32
      %mul3A_18 = arith.muli %scan3A_16, %mul3A_17 : i32
      %get3A = arith.index_cast %mul3A_18 : i32 to index
      %get3A_19 = tpu.vector_load %arg5[%get3A] {strides = array<i32>} : memref<512xi32, #tpu.memory_space<vmem>>, vector<16xi32>,
      %gather3A = tpu.vector_load_idx %arg7[%get3A_19] : memref<1024xf32, #tpu.memory_space<vmem>>[vector<16xi32>], vector<16xf32>,
      %gather3A_20 = tpu.vector_load_idx %arg8[%get3A_19] : memref<1024xf32, #tpu.memory_space<vmem>>[vector<16xi32>], vector<16xf32>,
      %mul3A_21 = arith.constant 32 : i32
      %mul3A_22 = arith.muli %scan3A_16, %mul3A_21 : i32
      %mul3A_23 = arith.constant 2 : i32
      %mul3A_24 = vector.broadcast %mul3A_23 : i32 to vector<16xi32>
      %mul3A_25 = arith.muli %mul3A_24, %iota3A : vector<16xi32>
      %add3A_26 = vector.broadcast %mul3A_22 : i32 to vector<16xi32>
      %add3A_27 = arith.addi %add3A_26, %mul3A_25 : vector<16xi32>
      tpu.vector_store_idx %arg9[%add3A_27], %gather3A : memref<1024xf32, #tpu.memory_space<vmem>>[vector<16xi32>], vector<16xf32>,
      %add3A_28 = arith.constant 1 : i32
      %add3A_29 = vector.broadcast %add3A_28 : i32 to vector<16xi32>
      %add3A_30 = arith.addi %add3A_27, %add3A_29 : vector<16xi32>
      tpu.vector_store_idx %arg9[%add3A_30], %gather3A_20 : memref<1024xf32, #tpu.memory_space<vmem>>[vector<16xi32>], vector<16xf32>,
    }
    %scan3A_13 = arith.constant 32 : i32
    %mul3A_14 = arith.constant 2 : i32
    %mul3A_15 = arith.muli %mul3A_14, %mul3A_2 : i32
    "tpu.region"() ({
      %run_scoped3A = tpu.sem_alloc : memref<!tpu.dma_semaphore, #tpu.memory_space<semaphore_mem>>
      %dma_start3A = tpu.memref_slice %arg4[%mul3A_15] : memref<32768xf32, #tpu.memory_space<hbm>> -> memref<1024xf32, #tpu.memory_space<hbm>>
      %dma_start3A_16 = tpu.memref_slice %arg4[%mul3A_15] : memref<32768xf32, #tpu.memory_space<hbm>> -> memref<1024xf32, #tpu.memory_space<hbm>>
      tpu.enqueue_dma source(%arg9 : memref<1024xf32, #tpu.memory_space<vmem>>) target(%dma_start3A_16 : memref<1024xf32, #tpu.memory_space<hbm>>) target_semaphore(%run_scoped3A : memref<!tpu.dma_semaphore, #tpu.memory_space<semaphore_mem>>)
      %dma_wait3A = tpu.memref_slice %arg4[%mul3A_15] : memref<32768xf32, #tpu.memory_space<hbm>> -> memref<1024xf32, #tpu.memory_space<hbm>>
      %dma_wait3A_17 = tpu.memref_slice %arg4[%mul3A_15] : memref<32768xf32, #tpu.memory_space<hbm>> -> memref<1024xf32, #tpu.memory_space<hbm>>
      tpu.wait_dma2 semaphore(%run_scoped3A : memref<!tpu.dma_semaphore, #tpu.memory_space<semaphore_mem>>) src(%arg9 : memref<1024xf32, #tpu.memory_space<vmem>>) dst(%dma_wait3A_17 : memref<1024xf32, #tpu.memory_space<hbm>>)
      tpu.yield
    }) : () -> ()
    return
  }
}

</mosaic_0001>

<sc_bundles>
// kernel: kernel.3.cloned.1.call-start
scs
__scs_entry_jumppad:
0x0: {  	(pc) =	sbr.rel $0x88, $3  }
0x1: {  	(tag) =	ssettag $0x0;
	lr =	simm.s32 $0x1  }
0x2: {  	[smem:$0x3F9F] =	sst lr;
	_ =	strace $0xD0000000  }
0x3: {  	_ = 	snop  }
0x4: {  	_ = 	snop  }
0x5: {  	_ = 	snop  }
0x6: {  	_ = 	snop  }
0x7: {  	_ = 	snop  }
__scs_overlays_trampoline_lowered:
0x8: {  	[smem:$0x3FAE] =	sst s0  }
0x9: {  	[smem:$0x3FAF] =	sst s1  }
0xa: {  	[smem:$0x3FB0] =	sst s2  }
0xb: {  	[smem:$0x3FB1] =	sst s3  }
0xc: {  	[smem:$0x3FB2] =	sst s4  }
0xd: {  	[smem:$0x3FB3] =	sst s5  }
0xe: {  	[smem:$0x3FB4] =	sst s6  }
0xf: {  	[smem:$0x3FB5] =	sst s7  }
0x10: {  	[smem:$0x3FB6] =	sst s8  }
0x11: {  	[smem:$0x3FB7] =	sst s9;
	s0 =	simm.s32 @!p0 $0x0  }
0x12: {  	s1 =	sld [smem:$0x3F9D];
	s0 =	simm.s32 @p0 $0x1  }
0x13: {  	[smem:$0x3FB8] =	sst s0;
	s0 =	simm.s32 @!p1 $0x0  }
0x14: {  	s2 =	sld [smem:$0x3F9C];
	s0 =	simm.s32 @p1 $0x1  }
0x15: {  	[smem:$0x3FB9] =	sst s0;
	s0 =	simm.s32 @!p2 $0x0  }
0x16: {  	s3 =	sld [smem:$0x3FDB];
	s0 =	simm.s32 @p2 $0x1  }
0x17: {  	s4 =	simm.s32 $0x1BF5;
	[smem:$0x3FBB] =	sst s0  }
0x18: {  	s0 =	sld [smem:$0x3F9E];
	_ =	swait.ge [sflag:s4], $0x0  }
0x19: {  	s7 =	sld [smem:$0x3F9F]  }
0x1a: {  	s8 =	sadd.s32 $0xFFFFE003, lr  }
0x1b: {  	s9 =	sadd.s32 $0xFFFFFEF7, lr;
	s5 =	simm.s32 $0xFFFFFFFF;
	p2 =	slt.u32 s8, $0xFFFFF086  }
0x1c: {  	p1 =	slt.u32 s9, $0xF7A;
	s5 =	simm.s32 @!p2 $0x0  }
0x1d: {  	s5 =	simm.s32 @p1 $0x1;
	p0 =	seq.s32 s7, s2  }
0x1e: {  	s7 =	smul.u32 @!p0 $0xF7A, s2;
	p2 =	seq.s32 @!p0 s5, $0x0  }
0x1f: {  	s9 =	smul.u32 $0xF7A, s1;
	s8 =	simm.s32 @!p0 $0x1BF5;
	p2 =	por !p2, p0  }
0x20: {  	[sflag:s8] =	ssyncset.s32 @!p0 $0xFFFFF086;
	s6 =	sadd.s32 @!p0 s3, s7;
	s7 =	simm.s32 @!p0 $0x108  }
0x21: {  	s3 =	sadd.s32 s3, s9;
	s6 =	sadd.s32 @!p0 $0x88, s6;
	s7 =	simm.s32 @p2 $0x1082  }
0x22: {  	[simem:s7], [sflag:s8] =	dma.local @!p0 [hbm:s6], $0xF7A  }
0x23: {  	s9 =	sor.u32 $0xD0000000, s2;
	s6 =	simm.s32 $0x108;
	_ =	swait.ge @!p0 [sflag:s8], $0x0  }
0x24: {  	s3 =	sadd.s32 $0x88, s3;
	s6 =	simm.s32 @!p1 $0x1082;
	[sflag:s4] =	ssyncset.s32 $0xFFFFF086  }
0x25: {  	[simem:s6], [sflag:s4] =	dma.local [hbm:s3], $0xF7A  }
0x26: {  	[smem:$0x3F9F] =	sst s1;
	(tag) =	ssettag s2;
	_ =	strace s9  }
0x27: {  	s1 =	sld [smem:$0x3FAF]  }
0x28: {  	s2 =	sld [smem:$0x3FB0]  }
0x29: {  	s4 =	sld [smem:$0x3FB2]  }
0x2a: {  	p0 =	seq.s32 s5, $0x0;
	s5 =	sld [smem:$0x3FB3]  }
0x2b: {  	s6 =	sld [smem:$0x3FB4]  }
0x2c: {  	s7 =	sld [smem:$0x3FB5]  }
0x2d: {  	s3 =	simm.s32 $0x108;
	s8 =	sld [smem:$0x3FB6]  }
0x2e: {  	s3 =	simm.s32 @!p0 $0x1082;
	s9 =	sld [smem:$0x3FB7]  }
0x2f: {  	lr =	sadd.s32 s0, s3;
	s0 =	sld [smem:$0x3FAE]  }
0x30: {  	s3 =	sld [smem:$0x3FB1]  }
0x31: {  	[smem:$0x3FBA] =	sst s10  }
0x32: {  	s10 =	sld [smem:$0x3FB8];
	_ =	sdelay $0x3  }
0x33: {  	p0 =	seq.s32 s10, $0x1;
	s10 =	sld [smem:$0x3FBA];
	_ =	sdelay $0x3  }
0x34: {  	[smem:$0x3FBA] =	sst s10  }
0x35: {  	s10 =	sld [smem:$0x3FB9];
	_ =	sdelay $0x3  }
0x36: {  	p1 =	seq.s32 s10, $0x1;
	s10 =	sld [smem:$0x3FBA];
	_ =	sdelay $0x3  }
0x37: {  	[smem:$0x3FBA] =	sst s10  }
0x38: {  	s10 =	sld [smem:$0x3FBB]  }
0x39: {  	_ = 	snop;
	(pc) =	sbr.ind lr, $3  }
0x3a: {  	_ = 	snop  }
0x3b: {  	_ = 	snop  }
0x3c: {  	p2 =	seq.s32 s10, $0x1;
	s10 =	sld [smem:$0x3FBA]  }
0x3d: {  	_ =	shalt  }
0x3e: {  	_ =	shalt  }
0x3f: {  	_ =	shalt  }
0x40: {  	_ =	shalt  }
0x41: {  	_ =	shalt  }
0x42: {  	_ =	shalt  }
0x43: {  	_ =	shalt  }
0x44: {  	_ =	shalt  }
0x45: {  	_ =	shalt  }
0x46: {  	_ =	shalt  }
0x47: {  	_ =	shalt  }
0x48: {  	_ =	shalt  }
0x49: {  	_ =	shalt  }
0x4a: {  	_ =	shalt  }
0x4b: {  	_ =	shalt  }
0x4c: {  	_ =	shalt  }
0x4d: {  	_ =	shalt  }
0x4e: {  	_ =	shalt  }
0x4f: {  	_ =	shalt  }
0x50: {  	_ =	shalt  }
0x51: {  	_ =	shalt  }
0x52: {  	_ =	shalt  }
0x53: {  	_ =	shalt  }
0x54: {  	_ =	shalt  }
0x55: {  	_ =	shalt  }
0x56: {  	_ =	shalt  }
0x57: {  	_ =	shalt  }
0x58: {  	_ =	shalt  }
0x59: {  	_ =	shalt  }
0x5a: {  	_ =	shalt  }
0x5b: {  	_ =	shalt  }
0x5c: {  	_ =	shalt  }
0x5d: {  	_ =	shalt  }
0x5e: {  	_ =	shalt  }
0x5f: {  	_ =	shalt  }
0x60: {  	_ =	shalt  }
0x61: {  	_ =	shalt  }
0x62: {  	_ =	shalt  }
0x63: {  	_ =	shalt  }
0x64: {  	_ =	shalt  }
0x65: {  	_ =	shalt  }
0x66: {  	_ =	shalt  }
0x67: {  	_ =	shalt  }
0x68: {  	_ =	shalt  }
0x69: {  	_ =	shalt  }
0x6a: {  	_ =	shalt  }
0x6b: {  	_ =	shalt  }
0x6c: {  	_ =	shalt  }
0x6d: {  	_ =	shalt  }
0x6e: {  	_ =	shalt  }
0x6f: {  	_ =	shalt  }
0x70: {  	_ =	shalt  }
0x71: {  	_ =	shalt  }
0x72: {  	_ =	shalt  }
0x73: {  	_ =	shalt  }
0x74: {  	_ =	shalt  }
0x75: {  	_ =	shalt  }
0x76: {  	_ =	shalt  }
0x77: {  	_ =	shalt  }
0x78: {  	_ =	shalt  }
0x79: {  	_ =	shalt  }
0x7a: {  	_ =	shalt  }
0x7b: {  	_ =	shalt  }
0x7c: {  	_ =	shalt  }
0x7d: {  	_ =	shalt  }
0x7e: {  	_ =	shalt  }
0x7f: {  	_ =	shalt  }
0x80: {  	_ =	shalt  }
0x81: {  	_ =	shalt  }
0x82: {  	_ =	shalt  }
0x83: {  	_ =	shalt  }
0x84: {  	_ =	shalt  }
0x85: {  	_ =	shalt  }
0x86: {  	_ =	shalt  }
0x87: {  	_ =	shalt  }
.Lfunc_end0:
.L_simem_size_0:
called_computation_lowered:
.L_overlay_start_0:
0x88: {  	s2 =	sld [smem:$0x3FD9]  }
0x89: {  	s3 =	sld [smem:$0x3FFE];
	_ =	sdelay $0x1  }
0x8a: {  	s1 =	srdreg.scid  }
0x8b: {  	s0 =	sand.u32 $0x1, s1  }
0x8c: {  	s17 =	sshll.u32 s0, $0xA;
	s2 =	sadd.s32 s3, s2  }
0x8d: {  	s2 =	sadd.s32 s2, s17  }
0x8e: {  	[smem:$0x3FC6] =	sst s2  }
0x8f: {  	_ = 	snop  }
0x90: {  	s2 =	sld [smem:$0x3FC9]  }
0x91: {  	s18 =	sld [smem:$0x3FD0];
	(tm) =	ssettm $0x1  }
0x92: {  	s4 =	sld [smem:$0x3FFB];
	_ =	sdelay $0x3  }
0x93: {  	_ =	strace s4  }
0x94: {  	s4 =	sld [smem:$0x3FFC];
	_ =	sdelay $0x3  }
0x95: {  	_ =	strace s4  }
0x96: {  	s4 =	sld [smem:$0x3FFD];
	_ =	sdelay $0x3  }
0x97: {  	_ =	strace s4  }
0x98: {  	_ =	strace $0x8FFFFFFF  }
0x99: {  	s19 =	sld [smem:$0x3FDB];
	_ =	sdelay $0x1  }
0x9a: {  	s5 =	simm.s32 $_scs_section_size  }
0x9b: {  	s6 =	simm.s32 $_size__tile_overlayer_lowered;
	s7 =	simm.s32 $_tile_overlayer_lowered  }
0x9c: {  	s22 =	simm.s32 $0x1BFF;
	s21 =	sshll.u32 s7, $0x1;
	s4 =	sadd.s32 s5, s19  }
0x9d: {  	s8 =	simm.s32 $0x0;
	s20 =	sshll.u32 s6, $0x1;
	s6 =	sadd.s32 s21, s4  }
0x9e: {  	[timem:s8], [sflag:s22] =	dma.local [hbm:s6], s20  }
0x9f: {  	_ =	swait.ge [sflag:s22], s20  }
0xa0: {  	s5 =	ssub.s32 $0x0, s20;
	[sflag:s22] =	ssyncset.done $0x0  }
0xa1: {  	[sflag:s22] =	ssyncadd.s32 s5;
	_ =	sdelay $0x1  }
0xa2: {  	s23 =	simm.s32 $0x1B8B  }
0xa3: {  	_ =	swait.ge [sflag:s23], $0x1  }
0xa4: {  	[sflag:s23] =	ssyncset.done $0x0  }
0xa5: {  	s25 =	simm.s32 $0x1B8E;
	s24 =	sld [smem:$0x3FFE];
	[sflag:s23] =	ssyncadd.s32 $0xFFFFFFFF  }
0xa6: {  	s26 =	simm.s32 $execute0_lowered;
	[smem:$0x3FD2] =	sst s25  }
0xa7: {  	s6 =	sshll.u32 s26, $0x1;
	_ =	strace $0x80000046;
	[dreg:$0x1] =	wrdreg $0xFFFFFFFF  }
0xa8: {  	s28 =	simm.s32 $_size_execute0_lowered;
	s4 =	sadd.s32 s4, s6;
	[dreg:$0x0] =	wrdreg $0x0  }
0xa9: {  	s6 =	sshll.u32 s28, $0x1;
	[dreg:$0x2] =	wrdreg s4  }
0xaa: {  	[dreg:$0x3] =	wrdreg s6  }
0xab: {  	[dreg:$0x4] =	wrdreg $0xC0  }
0xac: {  	_ =	task [dreg:s8], $0x5FFFF  }
0xad: {  	[dreg:$0x1] =	wrdreg $0xFFFFFFFF  }
0xae: {  	[dreg:$0x0] =	wrdreg $0x60  }
0xaf: {  	[dreg:$0x2] =	wrdreg s2  }
0xb0: {  	[dreg:$0x3] =	wrdreg s24  }
0xb1: {  	[dreg:$0x4] =	wrdreg s18  }
0xb2: {  	[dreg:$0x5] =	wrdreg $0x9  }
0xb3: {  	_ =	task.clear_ibuf [dreg:s8], $0x6FFFF;
	_ =	strace $0x90000046  }
0xb4: {  	s29 =	simm.s32 $0x9;
	_ =	strace $0x80000048  }
0xb5: {  	_ =	swait.ge [sflag:s29], $0x1  }
0xb6: {  	[sflag:s29] =	ssyncadd.s32 $0xFFFFFFFF  }
0xb7: {  	_ =	strace $0x90000048  }
0xb8: {  	_ =	sfence  }
0xb9: {  	s30 =	sld [smem:$0x0];
	_ =	sdelay $0x2  }
0xba: {  	s31 =	sshll.u32 s1, $0xD;
	s1 =	sshrl.u32 s1, $0x2  }
0xbb: {  	s3 =	sand.u32 $0x4000, s31;
	s1 =	sadd.s32 s1, s30  }
0xbc: {  	s0 =	sor.u32 s3, s0;
	s1 =	sshll.u32 s1, $0x11  }
0xbd: {  	s0 =	sor.u32 s1, s0  }
0xbe: {  	s0 =	sadd.s32 $0x8F2B, s0  }
0xbf: {  	[sflag:s0] =	ssyncadd.remote.s32 $0x1  }
0xc0: {  	_ =	sfence.sel $0xFFFF  }
0xc1: {  	[dreg:$0x0] =	wrdreg $0xFFFFFFFF;
	(pc) =	sbr.abs _section_cstart, $3  }
0xc2: {  	[dreg:$0x1] =	wrdreg $0xFFFFFFFF  }
0xc3: {  	_ =	task.clear_ibuf [dreg:s8], $0x2FFFF;
	_ =	strace $0x9FFFFFFF  }
0xc4: {  	(tm) =	ssettm $0x7FFFFFFF  }
0xc5: {  	_ =	shalt  }
tec
execute0_lowered:
.L_overlay_start_1:
0x0: {  	(tag) =	ssettag $0x1  }
0x1: {  	s4 =	rddreg [dreg:$0x0]  }
0x2: {  	s3 =	rddreg [dreg:$0x1]  }
0x3: {  	s5 =	rddreg [dreg:$0x2]  }
0x4: {  	s0 =	rddreg [dreg:$0x3];
	s2 =	simm.s32 $0x0;
	s6 =	srdreg.scid  }
0x5: {  	s1 =	stileid.u32;
	s10 =	simm.s32 $0xA00;
	s11 =	simm.s32 $0xE00  }
0x6: {  	s12 =	simm.s32 $0x0;
	[smem:$0x7FF] =	sst s2;
	s6 =	sand.u32 $0x1, s6  }
0x7: {  	s8 =	sshll.u32 s1, $0x1;
	s3 =	sadd.s32 $0x400, s3;
	s7 =	ssub.s32 $0x2, s6  }
0x8: {  	v0 =	vlaneseq.u32;
	_ =	strace $0x80000047;
	s6 =	sor.u32 s6, s8;
	s9 =	sshrl.u32 s7, $0x1  }
0x9: {  	v0 =	vmul.u32 $0x2, v0;
	s8 =	sshll.u32 s6, $0x6;
	s6 =	sshll.u32 s6, $0x7;
	s7 =	ssub.s32 s7, s9  }
0xa: {  	s4 =	sadd.s32 s4, s8;
	s5 =	sadd.s32 s5, s6;
	s8 =	simm.s32 $0x1  }
0xb: {  	v1 =	vor.u32 $0x1, v0;
	s9 =	simm.s32 $0x600;
	s6 =	smax.u32 s7, $0x1;
	s7 =	simm.s32 $0x200  }
.LBB2_1:
0xc: {  	[tilespmem:s7], [sflag:$0x1] =	stream.linear.gather [hbm4b:s3+s2], $0x400, $0x38;
	[tilespmem:$0x1200] =	vst v63  }
0xd: {  	_ =	swait.ge [sflag:s8], $0x400  }
0xe: {  	[sflag:s8] =	ssyncset.done $0x0  }
0xf: {  	[sflag:s8] =	ssyncadd.s32 $0xFFFFFC00  }
0x10: {  	[tilespmem:s2], [sflag:$0x1] =	stream.linear.gather [hbm4b:s4+s2], $0x200, $0x38;
	[tilespmem:$0x1200] =	vst v63  }
0x11: {  	_ =	swait.ge [sflag:s8], $0x200  }
0x12: {  	[sflag:s8] =	ssyncset.done $0x0  }
0x13: {  	s14 =	simm.s32 $0x0;
	[sflag:s8] =	ssyncadd.s32 $0xFFFFFE00  }
0x14: {  	v16 =	vld [tilespmem:s14+$0x200];
	_ =	sdelay $0x4  }
0x15: {  	v15 =	vsub.f32 $1.000000000e+00, v16  }
0x16: {  	v2 =	vshra.s32 v16, $0x1  }
0x17: {  	v3 =	vadd.s32 $0x1FBD1DF5, v2;
	v2 =	vshra.s32 v15, $0x1  }
0x18: {  	s13 =	simm.s32 $0x10;
	(erf) = vrcp.f32 v3;
	v5 =	vadd.s32 $0x1FBD1DF5, v2  }
0x19: {  	v2 =	vld [tilespmem:s13+$0x200];
	(erf) = vrcp.f32 v5;
	_ =	sdelay $0x4  }
0x1a: {  	v4 =	vsub.f32 $1.000000000e+00, v2  }
0x1b: {  	v6 =	vshra.s32 v2, $0x1  }
0x1c: {  	v6 =	vadd.s32 $0x1FBD1DF5, v6;
	v8 =	vshra.s32 v4, $0x1  }
0x1d: {  	(erf) = vrcp.f32 v6;
	v7 =	vpop (erf);
	v8 =	vadd.s32 $0x1FBD1DF5, v8  }
0x1e: {  	v7 =	vmul.f32 v7, v16;
	(erf) = vrcp.f32 v8;
	v9 =	vpop (erf)  }
0x1f: {  	v9 =	vmul.f32 v9, v15  }
0x20: {  	v3 =	vadd.f32 v3, v7  }
0x21: {  	v5 =	vadd.f32 v5, v9  }
0x22: {  	v7 =	vmul.f32 $5.000000000e-01, v3  }
0x23: {  	s15 =	simm.s32 $0x20;
	v9 =	vmul.f32 $5.000000000e-01, v5  }
0x24: {  	v3 =	vld [tilespmem:s15+$0x200];
	(erf) = vrcp.f32 v7  }
0x25: {  	(erf) = vrcp.f32 v9  }
0x26: {  	v10 =	vpop (erf)  }
0x27: {  	v12 =	vpop (erf)  }
0x28: {  	v12 =	vmul.f32 v12, v4  }
0x29: {  	v5 =	vsub.f32 $1.000000000e+00, v3  }
0x2a: {  	v11 =	vshra.s32 v3, $0x1;
	v8 =	vadd.f32 v8, v12  }
0x2b: {  	v10 =	vmul.f32 v10, v2;
	v11 =	vadd.s32 $0x1FBD1DF5, v11;
	v13 =	vshra.s32 v5, $0x1  }
0x2c: {  	(erf) = vrcp.f32 v11;
	v13 =	vadd.s32 $0x1FBD1DF5, v13  }
0x2d: {  	s16 =	simm.s32 $0x30;
	v10 =	vadd.f32 v6, v10;
	(erf) = vrcp.f32 v13;
	v12 =	vpop (erf)  }
0x2e: {  	v6 =	vld [tilespmem:s16+$0x200];
	v17 =	vmul.f32 $5.000000000e-01, v8;
	v8 =	vpop (erf)  }
0x2f: {  	v10 =	vmul.f32 $5.000000000e-01, v10;
	v8 =	vmul.f32 v8, v15;
	_ =	sdelay $0x1  }
0x30: {  	v12 =	vmul.f32 v12, v16;
	(erf) = vrcp.f32 v10;
	v8 =	vadd.f32 v8, v9  }
0x31: {  	(erf) = vrcp.f32 v17  }
0x32: {  	v9 =	vadd.f32 v12, v7;
	v12 =	vshra.s32 v6, $0x1  }
0x33: {  	v7 =	vsub.f32 $1.000000000e+00, v6;
	v19 =	vadd.s32 $0x1FBD1DF5, v12  }
0x34: {  	v21 =	vmul.f32 $5.000000000e-01, v8;
	(erf) = vrcp.f32 v19;
	v8 =	vpop (erf)  }
0x35: {  	v12 =	vshra.s32 v7, $0x1;
	v8 =	vmul.f32 v8, v3;
	v14 =	vpop (erf)  }
0x36: {  	v22 =	vadd.s32 $0x1FBD1DF5, v12;
	(erf) = vrcp.f32 v21;
	v12 =	vmul.f32 v14, v5  }
0x37: {  	v9 =	vmul.f32 $5.000000000e-01, v9;
	(erf) = vrcp.f32 v22;
	v11 =	vadd.f32 v11, v8  }
0x38: {  	s17 =	simm.s32 $0x40;
	v12 =	vadd.f32 v13, v12  }
0x39: {  	(erf) = vrcp.f32 v9;
	v14 =	vpop (erf);
	v8 =	vld [tilespmem:s17+$0x200];
	v13 =	vmul.f32 $5.000000000e-01, v11  }
0x3a: {  	v18 =	vpop (erf);
	v11 =	vmul.f32 v14, v2;
	v14 =	vmul.f32 $5.000000000e-01, v12  }
0x3b: {  	v12 =	vmul.f32 v18, v4;
	(erf) = vrcp.f32 v13;
	_ =	sdelay $0x1  }
0x3c: {  	v11 =	vadd.f32 v11, v10;
	v18 =	vpop (erf);
	(erf) = vrcp.f32 v14;
	v12 =	vadd.f32 v12, v17  }
0x3d: {  	v17 =	vshra.s32 v8, $0x1;
	v10 =	vsub.f32 $1.000000000e+00, v8;
	v20 =	vmul.f32 v18, v6  }
0x3e: {  	v11 =	vmul.f32 $5.000000000e-01, v11;
	v17 =	vadd.s32 $0x1FBD1DF5, v17;
	v18 =	vpop (erf);
	v12 =	vmul.f32 $5.000000000e-01, v12  }
0x3f: {  	v23 =	vshra.s32 v10, $0x1;
	(erf) = vrcp.f32 v17;
	v24 =	vpop (erf);
	v15 =	vmul.f32 v18, v15  }
0x40: {  	v18 =	vadd.s32 $0x1FBD1DF5, v23;
	v23 =	vmul.f32 v24, v7;
	(erf) = vrcp.f32 v12  }
0x41: {  	v20 =	vadd.f32 v19, v20;
	v63 =	vpop (erf);
	v15 =	vadd.f32 v15, v21;
	(erf) = vrcp.f32 v18  }
0x42: {  	s18 =	simm.s32 $0x50;
	s19 =	simm.s32 $0x180;
	v16 =	vmul.f32 v63, v16;
	v19 =	vadd.f32 v22, v23;
	(erf) = vrcp.f32 v11  }
.LBB2_2:
0x43: {  	v20 =	vmul.f32 $5.000000000e-01, v20;
	v21 =	vpop (erf);
	v15 =	vmul.f32 $5.000000000e-01, v15;
	v22 =	vmov v6  }
0x44: {  	p0 =	sne.s32 s19, $0xFC0;
	v6 =	vmovc v8;
	v8 =	vld [tilespmem:s18+$0x200];
	v23 =	vmovc v7;
	v7 =	vmov v10;
	v24 =	vmov v17;
	v25 =	vmov v12  }
0x45: {  	v10 =	vmul.f32 $5.000000000e-01, v19;
	v12 =	vmul.f32 v21, v3;
	v17 =	vpop (erf);
	v16 =	vadd.f32 v16, v9  }
0x46: {  	v9 =	vmovc v11;
	v19 =	vmov v18;
	(erf) = vrcp.f32 v20;
	v17 =	vmul.f32 v17, v5;
	[tilespmem:s14+$0xA00] =	vst v15  }
0x47: {  	(erf) = vrcp.f32 v10;
	v11 =	vadd.f32 v12, v13;
	v12 =	vmul.f32 $5.000000000e-01, v16;
	v13 =	vmovc v20  }
0x48: {  	v21 =	vadd.f32 v17, v14;
	v14 =	vmov v10  }
0x49: {  	v16 =	vshra.s32 v8, $0x1;
	v10 =	vsub.f32 $1.000000000e+00, v8;
	v18 =	vpop (erf);
	v11 =	vmul.f32 $5.000000000e-01, v11;
	[tilespmem:s14+$0x600] =	vst v12;
	s14 =	smov.u32 s13;
	s13 =	smov.u32 s15;
	s15 =	smov.u32 s16  }
.Ltmp0:
0x4a: {  	s16 =	smov.u32 s17;
	s17 =	smov.u32 s18;
	v17 =	vadd.s32 $0x1FBD1DF5, v16;
	v16 =	vmul.f32 v18, v6;
	v12 =	vmul.f32 $5.000000000e-01, v21;
	v15 =	vpop (erf);
	(pc) =	sbr.rel @p0 .LBB2_2-.Ltmp0, $4  }
0x4b: {  	v18 =	vshra.s32 v10, $0x1;
	(erf) = vrcp.f32 v17;
	v20 =	vpop (erf);
	v27 =	vmul.f32 v15, v4  }
0x4c: {  	v18 =	vadd.s32 $0x1FBD1DF5, v18;
	v21 =	vmul.f32 v20, v7;
	(erf) = vrcp.f32 v12;
	v26 =	vpop (erf)  }
0x4d: {  	v4 =	vmovc v5;
	v5 =	vmovc v23;
	v20 =	vadd.f32 v24, v16;
	(erf) = vrcp.f32 v18;
	v15 =	vadd.f32 v27, v25  }
0x4e: {  	s18 =	sshra.s32 s19, $0x2;
	s19 =	sadd.s32 $0x40, s19;
	v16 =	vmul.f32 v26, v2;
	v2 =	vmovc v3;
	v3 =	vmovc v22;
	v19 =	vadd.f32 v19, v21;
	(erf) = vrcp.f32 v11  }
0x4f: {  	v21 =	vld [tilespmem:s18+$0x200];
	v22 =	vpop (erf)  }
0x50: {  	v23 =	vpop (erf)  }
0x51: {  	v23 =	vmul.f32 v23, v5  }
0x52: {  	v20 =	vmul.f32 $5.000000000e-01, v20  }
0x53: {  	v19 =	vmul.f32 $5.000000000e-01, v19;
	v14 =	vadd.f32 v23, v14  }
0x54: {  	(erf) = vrcp.f32 v20;
	v62 =	vshra.s32 v21, $0x1;
	v24 =	vsub.f32 $1.000000000e+00, v21  }
0x55: {  	(erf) = vrcp.f32 v19;
	v23 =	vadd.s32 $0x1FBD1DF5, v62;
	v14 =	vmul.f32 $5.000000000e-01, v14  }
0x56: {  	v25 =	vshra.s32 v24, $0x1;
	(erf) = vrcp.f32 v23  }
0x57: {  	v25 =	vadd.s32 $0x1FBD1DF5, v25;
	(erf) = vrcp.f32 v14  }
0x58: {  	(erf) = vrcp.f32 v25  }
0x59: {  	v26 =	vpop (erf)  }
0x5a: {  	v22 =	vmul.f32 v22, v3;
	v27 =	vpop (erf)  }
0x5b: {  	v28 =	vpop (erf)  }
0x5c: {  	v13 =	vadd.f32 v22, v13;
	v63 =	vpop (erf)  }
0x5d: {  	v26 =	vmul.f32 v26, v8;
	v29 =	vpop (erf)  }
0x5e: {  	v13 =	vmul.f32 $5.000000000e-01, v13;
	v28 =	vmul.f32 v28, v10;
	v30 =	vpop (erf)  }
0x5f: {  	v17 =	vadd.f32 v17, v26;
	v33 =	vmul.f32 v30, v7;
	v34 =	vpop (erf)  }
0x60: {  	v18 =	vadd.f32 v18, v28;
	(erf) = vrcp.f32 v13;
	v35 =	vmul.f32 v29, v6;
	v36 =	vpop (erf)  }
0x61: {  	v17 =	vmul.f32 $5.000000000e-01, v17;
	v19 =	vadd.f32 v33, v19;
	v37 =	vmul.f32 v34, v21;
	v38 =	vpop (erf)  }
0x62: {  	v18 =	vmul.f32 $5.000000000e-01, v18;
	v20 =	vadd.f32 v35, v20;
	v39 =	vmul.f32 v38, v24  }
0x63: {  	(erf) = vrcp.f32 v17;
	v19 =	vmul.f32 $5.000000000e-01, v19;
	v23 =	vadd.f32 v23, v37  }
0x64: {  	(erf) = vrcp.f32 v18;
	v20 =	vmul.f32 $5.000000000e-01, v20;
	v25 =	vadd.f32 v25, v39  }
0x65: {  	(erf) = vrcp.f32 v19;
	v23 =	vmul.f32 $5.000000000e-01, v23  }
0x66: {  	(erf) = vrcp.f32 v20;
	v25 =	vmul.f32 $5.000000000e-01, v25  }
0x67: {  	(erf) = vrcp.f32 v23  }
0x68: {  	(erf) = vrcp.f32 v25;
	_ =	sdelay $0x2  }
0x69: {  	v40 =	vpop (erf)  }
0x6a: {  	v41 =	vpop (erf)  }
0x6b: {  	v42 =	vpop (erf)  }
0x6c: {  	v31 =	vpop (erf)  }
0x6d: {  	v32 =	vpop (erf)  }
0x6e: {  	v30 =	vmul.f32 v42, v10;
	v33 =	vpop (erf)  }
0x6f: {  	v28 =	vmul.f32 v41, v8;
	v34 =	vpop (erf)  }
0x70: {  	v18 =	vadd.f32 v30, v18;
	v43 =	vmul.f32 v34, v24  }
0x71: {  	v17 =	vadd.f32 v28, v17;
	v44 =	vmul.f32 v33, v21  }
0x72: {  	v18 =	vmul.f32 $5.000000000e-01, v18;
	v25 =	vadd.f32 v43, v25  }
0x73: {  	v17 =	vmul.f32 $5.000000000e-01, v17;
	v23 =	vadd.f32 v44, v23  }
0x74: {  	(erf) = vrcp.f32 v18;
	v25 =	vmul.f32 $5.000000000e-01, v25  }
0x75: {  	(erf) = vrcp.f32 v17;
	v23 =	vmul.f32 $5.000000000e-01, v23  }
0x76: {  	(erf) = vrcp.f32 v25  }
0x77: {  	(erf) = vrcp.f32 v23  }
0x78: {  	v4 =	vmul.f32 v27, v4  }
0x79: {  	v9 =	vadd.f32 v16, v9;
	v2 =	vmul.f32 v63, v2  }
0x7a: {  	v46 =	vmul.f32 $5.000000000e-01, v15;
	v4 =	vadd.f32 v4, v12;
	v45 =	vmul.f32 v36, v5  }
0x7b: {  	v9 =	vmul.f32 $5.000000000e-01, v9;
	v2 =	vadd.f32 v2, v11;
	v3 =	vmul.f32 v40, v3  }
0x7c: {  	[tilespmem:s14+$0xA00] =	vst v46;
	v4 =	vmul.f32 $5.000000000e-01, v4;
	v5 =	vadd.f32 v45, v14;
	v47 =	vmul.f32 v31, v7  }
0x7d: {  	[tilespmem:s14+$0x600] =	vst v9;
	v2 =	vmul.f32 $5.000000000e-01, v2;
	v3 =	vadd.f32 v3, v13;
	v48 =	vmul.f32 v32, v6;
	v49 =	vpop (erf)  }
0x7e: {  	[tilespmem:s13+$0xA00] =	vst v4;
	v50 =	vmul.f32 $5.000000000e-01, v5;
	v51 =	vadd.f32 v47, v19;
	v52 =	vmul.f32 v49, v10;
	v53 =	vpop (erf)  }
0x7f: {  	[tilespmem:s13+$0x600] =	vst v2;
	v2 =	vmul.f32 $5.000000000e-01, v3;
	v3 =	vadd.f32 v48, v20;
	v54 =	vmul.f32 v53, v8;
	v55 =	vpop (erf)  }
0x80: {  	[tilespmem:s15+$0xA00] =	vst v50;
	v56 =	vmul.f32 $5.000000000e-01, v51;
	v57 =	vadd.f32 v52, v18;
	v58 =	vmul.f32 v55, v24;
	v59 =	vpop (erf)  }
0x81: {  	[tilespmem:s15+$0x600] =	vst v2;
	v2 =	vmul.f32 $5.000000000e-01, v3;
	v3 =	vadd.f32 v54, v17;
	v60 =	vmul.f32 v59, v21  }
0x82: {  	[tilespmem:s16+$0xA00] =	vst v56;
	v61 =	vmul.f32 $5.000000000e-01, v57;
	v62 =	vadd.f32 v58, v25  }
0x83: {  	[tilespmem:s16+$0x600] =	vst v2;
	v2 =	vmul.f32 $5.000000000e-01, v3;
	v3 =	vadd.f32 v60, v23  }
0x84: {  	[tilespmem:s17+$0xA00] =	vst v61;
	v63 =	vmul.f32 $5.000000000e-01, v62  }
0x85: {  	[tilespmem:s17+$0x600] =	vst v2;
	v2 =	vmul.f32 $5.000000000e-01, v3  }
0x86: {  	[tilespmem:s18+$0xA00] =	vst v63  }
0x87: {  	s13 =	simm.s32 $0x0;
	[tilespmem:s18+$0x600] =	vst v2  }
0x88: {  	v2 =	vld [tilespmem:s13+$0x0]  }
0x89: {  	s14 =	simm.s32 $0x20;
	s15 =	simm.s32 $0x0  }
.LBB2_4:
0x8a: {  	p0 =	sne.s32 s14, $0x3E0;
	_ =	sdelay $0x5  }
0x8b: {  	v3 =	vld.idx.msk [tilespmem:v2+s9+$0x0], $0xffff  }
0x8c: {  	v4 =	vor.u32 s13, v0;
	v2 =	vld.idx.msk [tilespmem:v2+s10+$0x0], $0xffff  }
0x8d: {  	v5 =	vor.u32 s13, v1;
	s13 =	smov.u32 s14;
	_ =	sdelay $0x2  }
.Ltmp1:
0x8e: {  	(pc) =	sbr.rel @p0 .LBB2_4-.Ltmp1, $4  }
0x8f: {  	[tilespmem:v4+s11+$0x0] =	vst.idx.msk $0xffff, v3  }
0x90: {  	s15 =	sadd.s32 $0x10, s15;
	[tilespmem:v5+s11+$0x0] =	vst.idx.msk $0xffff, v2  }
0x91: {  	v2 =	vld [tilespmem:s15+$0x0]  }
0x92: {  	s14 =	sadd.s32 $0x20, s14  }
0x93: {  	_ =	sdelay $0x6  }
0x94: {  	v4 =	vor.u32 s13, v0;
	v3 =	vld.idx.msk [tilespmem:v2+s9+$0x0], $0xffff  }
0x95: {  	v5 =	vor.u32 s13, v1;
	v2 =	vld.idx.msk [tilespmem:v2+s10+$0x0], $0xffff;
	_ =	sdelay $0x2  }
0x96: {  	s12 =	sadd.s32 $0x1, s12  }
0x97: {  	p0 =	sne.s32 s12, s6;
	[tilespmem:v4+s11+$0x0] =	vst.idx.msk $0xffff, v3  }
.Ltmp2:
0x98: {  	[tilespmem:v5+s11+$0x0] =	vst.idx.msk $0xffff, v2;
	(pc) =	sbr.rel @p0 .LBB2_1-.Ltmp2, $4  }
0x99: {  	[hbm4b:s5+s2] =	stream.linear.scatter [tilespmem:s11], [sflag:$0x1], $0x400, $0x38;
	[tilespmem:$0x1200] =	vst v63  }
0x9a: {  	_ =	swait.ge [sflag:s8], $0x400  }
0x9b: {  	[sflag:s8] =	ssyncset.done $0x0  }
0x9c: {  	[sflag:s8] =	ssyncadd.s32 $0xFFFFFC00  }
0x9d: {  	_ =	sfence.sel $0x180000  }
0x9e: {  	[bflag:$0x0] =	sbarrier.arrive $0xFFFF  }
0x9f: {  	p0 =	sne.s32 s1, $0x0;
	_ =	strace $0x90000047  }
0xa0: {  	s0 =	sadd.s32 @!p0 $0x100000, s0;
	[bflag:$0x2] =	sbarrier.arrive $0xFFFF  }
0xa1: {  	[sflag:s0] =	ssyncadd.tile.s32 @!p0 $0x1;
	_ =	shalt  }
.Lfunc_end2:
_tile_overlayer_lowered:
.L_overlay_start_2:
0xa2: {  	(tag) =	ssettag $0x2  }
0xa3: {  	s0 =	rddreg [dreg:$0x0];
	s2 =	stileid.u32  }
0xa4: {  	s1 =	rddreg [dreg:$0x1];
	p0 =	sne.s32 s2, $0x0  }
0xa5: {  	s3 =	rddreg [dreg:$0x2];
	[bflag:$0x3] =	sbarrier.arrive $0xFFFF;
	s2 =	simm.s32 @!p0 $0x1C01  }
0xa6: {  	[timem:s3], [sflag:s2] =	dma.local @!p0 [hbm:s0], s1  }
0xa7: {  	s0 =	simm.s32 @!p0 $0x1  }
0xa8: {  	_ =	swait.ge @!p0 [sflag:s0], s1  }
0xa9: {  	s1 =	ssub.s32 @!p0 $0x0, s1;
	[sflag:s0] =	ssyncset.done @!p0 $0x0  }
0xaa: {  	[sflag:s0] =	ssyncadd.s32 @!p0 s1  }
0xab: {  	[bflag:$0x3] =	sbarrier.arrive $0xFFFF  }
0xac: {  	_ =	shalt  }

</sc_bundles>
